<compile_context>
chip_gen: v7x
topology: tpu7x:2x2x1
jax: 0.10.2.dev20260603
libtpu: 0.0.44.dev20260713+nightly
codegen_flags: <defaults>
</compile_context>

<pallas_src>
import functools

import jax
import jax.numpy as jnp
from jax import lax
from jax.experimental import pallas as pl
from jax.experimental.pallas import tpu as pltpu
from jax.experimental.pallas import tpu_sc as plsc

MAX_Z = 119
DIM = 64
N_ATOMS = 1_000_000
NC = 2
NS = 16
NW = NC * NS
CHUNK = 112
CHUNKS = 279
PER_W = CHUNK * CHUNKS
TAIL = N_ATOMS - NW * PER_W
NBUF = 3
GROUPS = (CHUNKS + NBUF - 1) // NBUF
J_END = GROUPS * NBUF


@functools.partial(
    pl.kernel,
    out_type=jax.ShapeDtypeStruct((N_ATOMS, DIM), jnp.float32),
    mesh=plsc.VectorSubcoreMesh(core_axis_name="c", subcore_axis_name="s"),
    scratch_types=[
        pltpu.VMEM((PER_W,), jnp.int32),
        pltpu.VMEM((NBUF, CHUNK, DIM), jnp.float32),
        pltpu.VMEM((MAX_Z, DIM), jnp.float32),
        pltpu.VMEM_SHARED((MAX_Z, DIM), jnp.float32),
        pltpu.SemaphoreType.DMA,
        pltpu.SemaphoreType.DMA,
        pltpu.SemaphoreType.DMA,
        pltpu.SemaphoreType.DMA,
        pltpu.SemaphoreType.DMA,
        pltpu.SemaphoreType.DMA,
    ],
)
def _embed(z_hbm, table_hbm, out_hbm, idx_v, rows_v, table_v, table_s,
           g0, g1, g2, w0, w1, w2):
    cid = lax.axis_index("c")
    sid = lax.axis_index("s")
    wid = sid * NC + cid

    @pl.when(sid == 0)
    def _():
        pltpu.sync_copy(table_hbm, table_v)
        pltpu.sync_copy(table_v, table_s)

    plsc.subcore_barrier()

    base = pl.multiple_of(wid * PER_W, 8)

    @pl.when(wid == NW - 1)
    def _():
        pltpu.sync_copy(z_hbm.at[pl.ds(NW * PER_W, TAIL)],
                        idx_v.at[pl.ds(0, TAIL)])
        pltpu.async_copy(table_s.at[idx_v.at[pl.ds(0, TAIL)]],
                         rows_v.at[0].at[pl.ds(0, TAIL)], g0).wait()
        pltpu.sync_copy(rows_v.at[0].at[pl.ds(0, TAIL)],
                        out_hbm.at[pl.ds(NW * PER_W, TAIL)])

    pltpu.sync_copy(z_hbm.at[pl.ds(base, PER_W)], idx_v)

    gsems = (g0, g1, g2)
    wsems = (w0, w1, w2)

    def out_slice(j):
        return out_hbm.at[pl.ds(pl.multiple_of(base + j * CHUNK, 8), CHUNK)]

    def start_gather(j, slot):
        pltpu.async_copy(
            table_s.at[idx_v.at[pl.ds(j * CHUNK, CHUNK)]],
            rows_v.at[slot], gsems[slot])

    def wait_gather(slot):
        pltpu.make_async_copy(
            table_s.at[idx_v.at[pl.ds(0, CHUNK)]],
            rows_v.at[slot], gsems[slot]).wait()

    def start_write(j, slot):
        pltpu.async_copy(rows_v.at[slot], out_slice(j), wsems[slot])

    def wait_write(slot):
        pltpu.make_async_copy(
            rows_v.at[slot], out_hbm.at[pl.ds(base, CHUNK)],
            wsems[slot]).wait()

    start_gather(0, 0)
    start_gather(1, 1)

    def body(g, _):
        for b in range(NBUF):
            j = g * NBUF + b

            @pl.when(j >= 1)
            def _():
                wait_write((b + 2) % NBUF)

            @pl.when(j + 2 < CHUNKS)
            def _():
                start_gather(j + 2, (b + 2) % NBUF)

            wait_gather(b)
            start_write(j, b)
        return 0

    lax.fori_loop(0, GROUPS, body, 0)

    wait_write((CHUNKS - 1) % NBUF)


def kernel(Z, table):
    return _embed(Z.astype(jnp.int32), table)

# --- scband reference (transcript-rebuilt; emitter-appended) ---
"""Pipeline reference for scband-per-species-embedding-77017353551920 (READ-ONLY COPY).

The authoritative reference and input builder live on the scoring server;
editing this copy changes nothing except your own understanding.
"""

import jax, jax.numpy as jnp
import numpy as np

MAX_Z = 119
DIM = 64
N_ATOMS = 1000000


def setup_inputs(seed: int = 0) -> dict:
    key = jax.random.key(seed)
    k1, k2 = jax.random.split(key)
    Z = jax.random.randint(k1, (N_ATOMS,), 0, MAX_Z, dtype=jnp.int64 if jax.config.jax_enable_x64 else jnp.int32)
    table = jax.random.normal(k2, (MAX_Z, DIM), dtype=jnp.float32)
    return {"Z": Z, "table": table}


def reference(Z, table):
    # PerSpeciesEmbedding.forward: self._embeddings[Z]
    # i.e. a row-gather from the per-species parameter table of shape (MAX_Z, dim)
    return jnp.take(table, Z, axis=0)

if __name__ == "__main__":
    import jax
    _d = setup_inputs()
    print(jax.jit(kernel)(*tuple(_d.values())))

</pallas_src>

<mosaic_0001>
#map = affine_map<(d0, d1) -> (0)>
#map1 = affine_map<(d0, d1) -> (0, 0)>
module attributes {stable_mosaic.version = 14 : i64} {
  func.func @_embed(%arg0: i32, %arg1: i32, %arg2: memref<1000000xi32, #tpu.memory_space<hbm>>, %arg3: memref<119x64xf32, #tpu.memory_space<hbm>>, %arg4: memref<1000000x64xf32, #tpu.memory_space<hbm>>, %arg5: memref<31248xi32, #tpu.memory_space<vmem>>, %arg6: memref<3x112x64xf32, #tpu.memory_space<vmem>>, %arg7: memref<119x64xf32, #tpu.memory_space<vmem>>, %arg8: memref<119x64xf32, #tpu.memory_space<vmem_shared>>, %arg9: memref<!tpu.dma_semaphore, #tpu.memory_space<semaphore_mem>>, %arg10: memref<!tpu.dma_semaphore, #tpu.memory_space<semaphore_mem>>, %arg11: memref<!tpu.dma_semaphore, #tpu.memory_space<semaphore_mem>>, %arg12: memref<!tpu.dma_semaphore, #tpu.memory_space<semaphore_mem>>, %arg13: memref<!tpu.dma_semaphore, #tpu.memory_space<semaphore_mem>>, %arg14: memref<!tpu.dma_semaphore, #tpu.memory_space<semaphore_mem>>) attributes {dimension_semantics = [#tpu.dimension_semantics<core_parallel>, #tpu.dimension_semantics<subcore_parallel>], iteration_bounds = array<i64: 2, 16>, scalar_prefetch = 0 : i64, scratch_operands = 10 : i64, tpu.core_type = #tpu.core_type<sc_vector_subcore>, window_params = [{transform_indices = #map}, {transform_indices = #map1}, {transform_indices = #map1}]} {
    %mul3A = arith.constant 2 : i32
    %mul3A_0 = arith.muli %arg1, %mul3A : i32
    %add3A = arith.addi %mul3A_0, %arg0 : i32
    %eq3A = arith.constant 0 : i32
    %eq3A_1 = arith.cmpi eq, %arg1, %eq3A : i32
    %convert_element_type3A = arith.extui %eq3A_1 : i1 to i32
    %cond3A = arith.constant 0 : i32
    %cond3A_2 = arith.cmpi ne, %convert_element_type3A, %cond3A : i32
    scf.if %cond3A_2 {
      "tpu.region"() ({
        %run_scoped3A = tpu.sem_alloc : memref<!tpu.dma_semaphore, #tpu.memory_space<semaphore_mem>>
        tpu.enqueue_dma source(%arg3 : memref<119x64xf32, #tpu.memory_space<hbm>>) target(%arg7 : memref<119x64xf32, #tpu.memory_space<vmem>>) target_semaphore(%run_scoped3A : memref<!tpu.dma_semaphore, #tpu.memory_space<semaphore_mem>>)
        tpu.wait_dma2 semaphore(%run_scoped3A : memref<!tpu.dma_semaphore, #tpu.memory_space<semaphore_mem>>) src(%arg3 : memref<119x64xf32, #tpu.memory_space<hbm>>) dst(%arg7 : memref<119x64xf32, #tpu.memory_space<vmem>>)
        tpu.yield
      }) : () -> ()
      "tpu.region"() ({
        %run_scoped3A = tpu.sem_alloc : memref<!tpu.dma_semaphore, #tpu.memory_space<semaphore_mem>>
        tpu.enqueue_dma source(%arg7 : memref<119x64xf32, #tpu.memory_space<vmem>>) target(%arg8 : memref<119x64xf32, #tpu.memory_space<vmem_shared>>) target_semaphore(%run_scoped3A : memref<!tpu.dma_semaphore, #tpu.memory_space<semaphore_mem>>)
        tpu.wait_dma2 semaphore(%run_scoped3A : memref<!tpu.dma_semaphore, #tpu.memory_space<semaphore_mem>>) src(%arg7 : memref<119x64xf32, #tpu.memory_space<vmem>>) dst(%arg8 : memref<119x64xf32, #tpu.memory_space<vmem_shared>>)
        tpu.yield
      }) : () -> ()
    } else {
    }
    %barrier3A = arith.constant 0 : index
    tpu.barrier barrier_id(%barrier3A)
    %mul3A_3 = arith.constant 31248 : i32
    %mul3A_4 = arith.muli %add3A, %mul3A_3 : i32
    %multiple_of3A = tpu.assume_multiple %mul3A_4, 8 : i32
    %eq3A_5 = arith.constant 31 : i32
    %eq3A_6 = arith.cmpi eq, %add3A, %eq3A_5 : i32
    %convert_element_type3A_7 = arith.extui %eq3A_6 : i1 to i32
    %cond3A_8 = arith.constant 0 : i32
    %cond3A_9 = arith.cmpi ne, %convert_element_type3A_7, %cond3A_8 : i32
    scf.if %cond3A_9 {
      "tpu.region"() ({
        %run_scoped3A_73 = tpu.sem_alloc : memref<!tpu.dma_semaphore, #tpu.memory_space<semaphore_mem>>
        %dma_start3A_74 = arith.constant 0 : i32
        %dma_start3A_75 = tpu.memref_slice %arg5[%dma_start3A_74] : memref<31248xi32, #tpu.memory_space<vmem>> -> memref<64xi32, #tpu.memory_space<vmem>>
        %dma_start3A_76 = arith.constant 999936 : i32
        %dma_start3A_77 = tpu.memref_slice %arg2[%dma_start3A_76] : memref<1000000xi32, #tpu.memory_space<hbm>> -> memref<64xi32, #tpu.memory_space<hbm>>
        %dma_start3A_78 = arith.constant 0 : i32
        %dma_start3A_79 = tpu.memref_slice %arg5[%dma_start3A_78] : memref<31248xi32, #tpu.memory_space<vmem>> -> memref<64xi32, #tpu.memory_space<vmem>>
        %dma_start3A_80 = arith.constant 999936 : i32
        %dma_start3A_81 = tpu.memref_slice %arg2[%dma_start3A_80] : memref<1000000xi32, #tpu.memory_space<hbm>> -> memref<64xi32, #tpu.memory_space<hbm>>
        tpu.enqueue_dma source(%dma_start3A_81 : memref<64xi32, #tpu.memory_space<hbm>>) target(%dma_start3A_79 : memref<64xi32, #tpu.memory_space<vmem>>) target_semaphore(%run_scoped3A_73 : memref<!tpu.dma_semaphore, #tpu.memory_space<semaphore_mem>>)
        %dma_wait3A_82 = arith.constant 0 : i32
        %dma_wait3A_83 = tpu.memref_slice %arg5[%dma_wait3A_82] : memref<31248xi32, #tpu.memory_space<vmem>> -> memref<64xi32, #tpu.memory_space<vmem>>
        %dma_wait3A_84 = arith.constant 999936 : i32
        %dma_wait3A_85 = tpu.memref_slice %arg2[%dma_wait3A_84] : memref<1000000xi32, #tpu.memory_space<hbm>> -> memref<64xi32, #tpu.memory_space<hbm>>
        %dma_wait3A_86 = arith.constant 0 : i32
        %dma_wait3A_87 = tpu.memref_slice %arg5[%dma_wait3A_86] : memref<31248xi32, #tpu.memory_space<vmem>> -> memref<64xi32, #tpu.memory_space<vmem>>
        %dma_wait3A_88 = arith.constant 999936 : i32
        %dma_wait3A_89 = tpu.memref_slice %arg2[%dma_wait3A_88] : memref<1000000xi32, #tpu.memory_space<hbm>> -> memref<64xi32, #tpu.memory_space<hbm>>
        tpu.wait_dma2 semaphore(%run_scoped3A_73 : memref<!tpu.dma_semaphore, #tpu.memory_space<semaphore_mem>>) src(%dma_wait3A_89 : memref<64xi32, #tpu.memory_space<hbm>>) dst(%dma_wait3A_87 : memref<64xi32, #tpu.memory_space<vmem>>)
        tpu.yield
      }) : () -> ()
      %dma_start3A_47 = arith.constant 0 : i32
      %dma_start3A_48 = arith.constant 0 : i32
      %dma_start3A_49 = arith.constant 0 : i32
      %dma_start3A_50 = tpu.memref_slice %arg6[%dma_start3A_47, %dma_start3A_48, %dma_start3A_49] : memref<3x112x64xf32, #tpu.memory_space<vmem>> -> memref<1x112x64xf32, #tpu.memory_space<vmem>>
      %dma_start3A_51 = tpu.memref_squeeze %dma_start3A_50 : memref<1x112x64xf32, #tpu.memory_space<vmem>> -> memref<112x64xf32, #tpu.memory_space<vmem>>
      %dma_start3A_52 = arith.constant 0 : i32
      %dma_start3A_53 = arith.constant 0 : i32
      %dma_start3A_54 = tpu.memref_slice %dma_start3A_51[%dma_start3A_52, %dma_start3A_53] : memref<112x64xf32, #tpu.memory_space<vmem>> -> memref<64x64xf32, #tpu.memory_space<vmem>>
      %dma_start3A_55 = arith.constant 0 : i32
      %dma_start3A_56 = tpu.memref_slice %arg5[%dma_start3A_55] : memref<31248xi32, #tpu.memory_space<vmem>> -> memref<64xi32, #tpu.memory_space<vmem>>
      %dma_start3A_57 = arith.constant 0 : i32
      %dma_start3A_58 = arith.constant 0 : i32
      %dma_start3A_59 = tpu.memref_slice %arg8[%dma_start3A_57, %dma_start3A_58] : memref<119x64xf32, #tpu.memory_space<vmem_shared>> -> memref<119x64xf32, #tpu.memory_space<vmem_shared>>
      tpu.enqueue_indirect_dma source(%dma_start3A_59 : memref<119x64xf32, #tpu.memory_space<vmem_shared>>) target(%dma_start3A_54 : memref<64x64xf32, #tpu.memory_space<vmem>>) offsets(%dma_start3A_56 : memref<64xi32, #tpu.memory_space<vmem>>) semaphore(%arg9 : memref<!tpu.dma_semaphore, #tpu.memory_space<semaphore_mem>>)
      %dma_wait3A_60 = arith.constant 0 : i32
      %dma_wait3A_61 = arith.constant 0 : i32
      %dma_wait3A_62 = arith.constant 0 : i32
      %dma_wait3A_63 = tpu.memref_slice %arg6[%dma_wait3A_60, %dma_wait3A_61, %dma_wait3A_62] : memref<3x112x64xf32, #tpu.memory_space<vmem>> -> memref<1x112x64xf32, #tpu.memory_space<vmem>>
      %dma_wait3A_64 = tpu.memref_squeeze %dma_wait3A_63 : memref<1x112x64xf32, #tpu.memory_space<vmem>> -> memref<112x64xf32, #tpu.memory_space<vmem>>
      %dma_wait3A_65 = arith.constant 0 : i32
      %dma_wait3A_66 = arith.constant 0 : i32
      %dma_wait3A_67 = tpu.memref_slice %dma_wait3A_64[%dma_wait3A_65, %dma_wait3A_66] : memref<112x64xf32, #tpu.memory_space<vmem>> -> memref<64x64xf32, #tpu.memory_space<vmem>>
      %dma_wait3A_68 = arith.constant 0 : i32
      %dma_wait3A_69 = tpu.memref_slice %arg5[%dma_wait3A_68] : memref<31248xi32, #tpu.memory_space<vmem>> -> memref<64xi32, #tpu.memory_space<vmem>>
      %dma_wait3A_70 = arith.constant 0 : i32
      %dma_wait3A_71 = arith.constant 0 : i32
      %dma_wait3A_72 = tpu.memref_slice %arg8[%dma_wait3A_70, %dma_wait3A_71] : memref<119x64xf32, #tpu.memory_space<vmem_shared>> -> memref<119x64xf32, #tpu.memory_space<vmem_shared>>
      tpu.wait_indirect_dma semaphore(%arg9 : memref<!tpu.dma_semaphore, #tpu.memory_space<semaphore_mem>>) src(%dma_wait3A_72 : memref<119x64xf32, #tpu.memory_space<vmem_shared>>) dst(%dma_wait3A_67 : memref<64x64xf32, #tpu.memory_space<vmem>>)
      %run_scoped3A = arith.constant 0 : i32
      "tpu.region"() ({
        %run_scoped3A_73 = tpu.sem_alloc : memref<!tpu.dma_semaphore, #tpu.memory_space<semaphore_mem>>
        %dma_start3A_74 = arith.constant 0 : i32
        %dma_start3A_75 = arith.constant 0 : i32
        %dma_start3A_76 = tpu.memref_slice %arg6[%run_scoped3A, %dma_start3A_74, %dma_start3A_75] : memref<3x112x64xf32, #tpu.memory_space<vmem>> -> memref<1x112x64xf32, #tpu.memory_space<vmem>>
        %dma_start3A_77 = tpu.memref_squeeze %dma_start3A_76 : memref<1x112x64xf32, #tpu.memory_space<vmem>> -> memref<112x64xf32, #tpu.memory_space<vmem>>
        %dma_start3A_78 = arith.constant 0 : i32
        %dma_start3A_79 = arith.constant 0 : i32
        %dma_start3A_80 = tpu.memref_slice %dma_start3A_77[%dma_start3A_78, %dma_start3A_79] : memref<112x64xf32, #tpu.memory_space<vmem>> -> memref<64x64xf32, #tpu.memory_space<vmem>>
        %dma_start3A_81 = arith.constant 999936 : i32
        %dma_start3A_82 = arith.constant 0 : i32
        %dma_start3A_83 = tpu.memref_slice %arg4[%dma_start3A_81, %dma_start3A_82] : memref<1000000x64xf32, #tpu.memory_space<hbm>> -> memref<64x64xf32, #tpu.memory_space<hbm>>
        %dma_start3A_84 = arith.constant 999936 : i32
        %dma_start3A_85 = arith.constant 0 : i32
        %dma_start3A_86 = tpu.memref_slice %arg4[%dma_start3A_84, %dma_start3A_85] : memref<1000000x64xf32, #tpu.memory_space<hbm>> -> memref<64x64xf32, #tpu.memory_space<hbm>>
        %dma_start3A_87 = arith.constant 0 : i32
        %dma_start3A_88 = arith.constant 0 : i32
        %dma_start3A_89 = tpu.memref_slice %arg6[%run_scoped3A, %dma_start3A_87, %dma_start3A_88] : memref<3x112x64xf32, #tpu.memory_space<vmem>> -> memref<1x112x64xf32, #tpu.memory_space<vmem>>
        %dma_start3A_90 = tpu.memref_squeeze %dma_start3A_89 : memref<1x112x64xf32, #tpu.memory_space<vmem>> -> memref<112x64xf32, #tpu.memory_space<vmem>>
        %dma_start3A_91 = arith.constant 0 : i32
        %dma_start3A_92 = arith.constant 0 : i32
        %dma_start3A_93 = tpu.memref_slice %dma_start3A_90[%dma_start3A_91, %dma_start3A_92] : memref<112x64xf32, #tpu.memory_space<vmem>> -> memref<64x64xf32, #tpu.memory_space<vmem>>
        tpu.enqueue_dma source(%dma_start3A_93 : memref<64x64xf32, #tpu.memory_space<vmem>>) target(%dma_start3A_86 : memref<64x64xf32, #tpu.memory_space<hbm>>) target_semaphore(%run_scoped3A_73 : memref<!tpu.dma_semaphore, #tpu.memory_space<semaphore_mem>>)
        %dma_wait3A_94 = arith.constant 0 : i32
        %dma_wait3A_95 = arith.constant 0 : i32
        %dma_wait3A_96 = tpu.memref_slice %arg6[%run_scoped3A, %dma_wait3A_94, %dma_wait3A_95] : memref<3x112x64xf32, #tpu.memory_space<vmem>> -> memref<1x112x64xf32, #tpu.memory_space<vmem>>
        %dma_wait3A_97 = tpu.memref_squeeze %dma_wait3A_96 : memref<1x112x64xf32, #tpu.memory_space<vmem>> -> memref<112x64xf32, #tpu.memory_space<vmem>>
        %dma_wait3A_98 = arith.constant 0 : i32
        %dma_wait3A_99 = arith.constant 0 : i32
        %dma_wait3A_100 = tpu.memref_slice %dma_wait3A_97[%dma_wait3A_98, %dma_wait3A_99] : memref<112x64xf32, #tpu.memory_space<vmem>> -> memref<64x64xf32, #tpu.memory_space<vmem>>
        %dma_wait3A_101 = arith.constant 999936 : i32
        %dma_wait3A_102 = arith.constant 0 : i32
        %dma_wait3A_103 = tpu.memref_slice %arg4[%dma_wait3A_101, %dma_wait3A_102] : memref<1000000x64xf32, #tpu.memory_space<hbm>> -> memref<64x64xf32, #tpu.memory_space<hbm>>
        %dma_wait3A_104 = arith.constant 999936 : i32
        %dma_wait3A_105 = arith.constant 0 : i32
        %dma_wait3A_106 = tpu.memref_slice %arg4[%dma_wait3A_104, %dma_wait3A_105] : memref<1000000x64xf32, #tpu.memory_space<hbm>> -> memref<64x64xf32, #tpu.memory_space<hbm>>
        %dma_wait3A_107 = arith.constant 0 : i32
        %dma_wait3A_108 = arith.constant 0 : i32
        %dma_wait3A_109 = tpu.memref_slice %arg6[%run_scoped3A, %dma_wait3A_107, %dma_wait3A_108] : memref<3x112x64xf32, #tpu.memory_space<vmem>> -> memref<1x112x64xf32, #tpu.memory_space<vmem>>
        %dma_wait3A_110 = tpu.memref_squeeze %dma_wait3A_109 : memref<1x112x64xf32, #tpu.memory_space<vmem>> -> memref<112x64xf32, #tpu.memory_space<vmem>>
        %dma_wait3A_111 = arith.constant 0 : i32
        %dma_wait3A_112 = arith.constant 0 : i32
        %dma_wait3A_113 = tpu.memref_slice %dma_wait3A_110[%dma_wait3A_111, %dma_wait3A_112] : memref<112x64xf32, #tpu.memory_space<vmem>> -> memref<64x64xf32, #tpu.memory_space<vmem>>
        tpu.wait_dma2 semaphore(%run_scoped3A_73 : memref<!tpu.dma_semaphore, #tpu.memory_space<semaphore_mem>>) src(%dma_wait3A_113 : memref<64x64xf32, #tpu.memory_space<vmem>>) dst(%dma_wait3A_106 : memref<64x64xf32, #tpu.memory_space<hbm>>)
        tpu.yield
      }) : () -> ()
    } else {
    }
    "tpu.region"() ({
      %run_scoped3A = tpu.sem_alloc : memref<!tpu.dma_semaphore, #tpu.memory_space<semaphore_mem>>
      %dma_start3A_47 = tpu.memref_slice %arg2[%multiple_of3A] : memref<1000000xi32, #tpu.memory_space<hbm>> -> memref<31248xi32, #tpu.memory_space<hbm>>
      %dma_start3A_48 = tpu.memref_slice %arg2[%multiple_of3A] : memref<1000000xi32, #tpu.memory_space<hbm>> -> memref<31248xi32, #tpu.memory_space<hbm>>
      tpu.enqueue_dma source(%dma_start3A_48 : memref<31248xi32, #tpu.memory_space<hbm>>) target(%arg5 : memref<31248xi32, #tpu.memory_space<vmem>>) target_semaphore(%run_scoped3A : memref<!tpu.dma_semaphore, #tpu.memory_space<semaphore_mem>>)
      %dma_wait3A_49 = tpu.memref_slice %arg2[%multiple_of3A] : memref<1000000xi32, #tpu.memory_space<hbm>> -> memref<31248xi32, #tpu.memory_space<hbm>>
      %dma_wait3A_50 = tpu.memref_slice %arg2[%multiple_of3A] : memref<1000000xi32, #tpu.memory_space<hbm>> -> memref<31248xi32, #tpu.memory_space<hbm>>
      tpu.wait_dma2 semaphore(%run_scoped3A : memref<!tpu.dma_semaphore, #tpu.memory_space<semaphore_mem>>) src(%dma_wait3A_50 : memref<31248xi32, #tpu.memory_space<hbm>>) dst(%arg5 : memref<31248xi32, #tpu.memory_space<vmem>>)
      tpu.yield
    }) : () -> ()
    %dma_start3A = arith.constant 0 : i32
    %dma_start3A_10 = arith.constant 0 : i32
    %dma_start3A_11 = arith.constant 0 : i32
    %dma_start3A_12 = tpu.memref_slice %arg6[%dma_start3A, %dma_start3A_10, %dma_start3A_11] : memref<3x112x64xf32, #tpu.memory_space<vmem>> -> memref<1x112x64xf32, #tpu.memory_space<vmem>>
    %dma_start3A_13 = tpu.memref_squeeze %dma_start3A_12 : memref<1x112x64xf32, #tpu.memory_space<vmem>> -> memref<112x64xf32, #tpu.memory_space<vmem>>
    %dma_start3A_14 = arith.constant 0 : i32
    %dma_start3A_15 = tpu.memref_slice %arg5[%dma_start3A_14] : memref<31248xi32, #tpu.memory_space<vmem>> -> memref<112xi32, #tpu.memory_space<vmem>>
    %dma_start3A_16 = arith.constant 0 : i32
    %dma_start3A_17 = arith.constant 0 : i32
    %dma_start3A_18 = tpu.memref_slice %arg8[%dma_start3A_16, %dma_start3A_17] : memref<119x64xf32, #tpu.memory_space<vmem_shared>> -> memref<119x64xf32, #tpu.memory_space<vmem_shared>>
    tpu.enqueue_indirect_dma source(%dma_start3A_18 : memref<119x64xf32, #tpu.memory_space<vmem_shared>>) target(%dma_start3A_13 : memref<112x64xf32, #tpu.memory_space<vmem>>) offsets(%dma_start3A_15 : memref<112xi32, #tpu.memory_space<vmem>>) semaphore(%arg9 : memref<!tpu.dma_semaphore, #tpu.memory_space<semaphore_mem>>)
    %dma_start3A_19 = arith.constant 1 : i32
    %dma_start3A_20 = arith.constant 0 : i32
    %dma_start3A_21 = arith.constant 0 : i32
    %dma_start3A_22 = tpu.memref_slice %arg6[%dma_start3A_19, %dma_start3A_20, %dma_start3A_21] : memref<3x112x64xf32, #tpu.memory_space<vmem>> -> memref<1x112x64xf32, #tpu.memory_space<vmem>>
    %dma_start3A_23 = tpu.memref_squeeze %dma_start3A_22 : memref<1x112x64xf32, #tpu.memory_space<vmem>> -> memref<112x64xf32, #tpu.memory_space<vmem>>
    %dma_start3A_24 = arith.constant 112 : i32
    %dma_start3A_25 = tpu.memref_slice %arg5[%dma_start3A_24] : memref<31248xi32, #tpu.memory_space<vmem>> -> memref<112xi32, #tpu.memory_space<vmem>>
    %dma_start3A_26 = arith.constant 0 : i32
    %dma_start3A_27 = arith.constant 0 : i32
    %dma_start3A_28 = tpu.memref_slice %arg8[%dma_start3A_26, %dma_start3A_27] : memref<119x64xf32, #tpu.memory_space<vmem_shared>> -> memref<119x64xf32, #tpu.memory_space<vmem_shared>>
    tpu.enqueue_indirect_dma source(%dma_start3A_28 : memref<119x64xf32, #tpu.memory_space<vmem_shared>>) target(%dma_start3A_23 : memref<112x64xf32, #tpu.memory_space<vmem>>) offsets(%dma_start3A_25 : memref<112xi32, #tpu.memory_space<vmem>>) semaphore(%arg10 : memref<!tpu.dma_semaphore, #tpu.memory_space<semaphore_mem>>)
    %scan3A = arith.constant 0 : i32
    %scan3A_29 = arith.constant 0 : i32
    %scan3A_30 = arith.constant 93 : i32
    %scan3A_31 = arith.addi %scan3A_29, %scan3A_30 : i32
    %scan3A_32 = arith.constant 1 : i32
    %scan3A_33 = scf.for %scan3A_47 = %scan3A_29 to %scan3A_31 step %scan3A_32 iter_args(%scan3A_48 = %scan3A) -> (i32)  : i32 {
      %mul3A_49 = arith.constant 3 : i32
      %mul3A_50 = arith.muli %scan3A_47, %mul3A_49 : i32
      %add3A_51 = arith.constant 0 : i32
      %add3A_52 = arith.addi %mul3A_50, %add3A_51 : i32
      %ge3A = arith.constant 1 : i32
      %ge3A_53 = arith.cmpi sge, %add3A_52, %ge3A : i32
      %convert_element_type3A_54 = arith.extui %ge3A_53 : i1 to i32
      %cond3A_55 = arith.constant 0 : i32
      %cond3A_56 = arith.cmpi ne, %convert_element_type3A_54, %cond3A_55 : i32
      scf.if %cond3A_56 {
        %dma_wait3A_177 = arith.constant 2 : i32
        %dma_wait3A_178 = arith.constant 0 : i32
        %dma_wait3A_179 = arith.constant 0 : i32
        %dma_wait3A_180 = tpu.memref_slice %arg6[%dma_wait3A_177, %dma_wait3A_178, %dma_wait3A_179] : memref<3x112x64xf32, #tpu.memory_space<vmem>> -> memref<1x112x64xf32, #tpu.memory_space<vmem>>
        %dma_wait3A_181 = tpu.memref_squeeze %dma_wait3A_180 : memref<1x112x64xf32, #tpu.memory_space<vmem>> -> memref<112x64xf32, #tpu.memory_space<vmem>>
        %dma_wait3A_182 = arith.constant 0 : i32
        %dma_wait3A_183 = tpu.memref_slice %arg4[%multiple_of3A, %dma_wait3A_182] : memref<1000000x64xf32, #tpu.memory_space<hbm>> -> memref<112x64xf32, #tpu.memory_space<hbm>>
        %dma_wait3A_184 = arith.constant 0 : i32
        %dma_wait3A_185 = tpu.memref_slice %arg4[%multiple_of3A, %dma_wait3A_184] : memref<1000000x64xf32, #tpu.memory_space<hbm>> -> memref<112x64xf32, #tpu.memory_space<hbm>>
        %dma_wait3A_186 = arith.constant 0 : i32
        %dma_wait3A_187 = arith.constant 0 : i32
        %dma_wait3A_188 = tpu.memref_slice %arg6[%dma_wait3A_177, %dma_wait3A_186, %dma_wait3A_187] : memref<3x112x64xf32, #tpu.memory_space<vmem>> -> memref<1x112x64xf32, #tpu.memory_space<vmem>>
        %dma_wait3A_189 = tpu.memref_squeeze %dma_wait3A_188 : memref<1x112x64xf32, #tpu.memory_space<vmem>> -> memref<112x64xf32, #tpu.memory_space<vmem>>
        tpu.wait_dma2 semaphore(%arg14 : memref<!tpu.dma_semaphore, #tpu.memory_space<semaphore_mem>>) src(%dma_wait3A_189 : memref<112x64xf32, #tpu.memory_space<vmem>>) dst(%dma_wait3A_185 : memref<112x64xf32, #tpu.memory_space<hbm>>)
      } else {
      }
      %add3A_57 = arith.constant 2 : i32
      %add3A_58 = arith.addi %add3A_52, %add3A_57 : i32
      %lt3A = arith.constant 279 : i32
      %lt3A_59 = arith.cmpi slt, %add3A_58, %lt3A : i32
      %convert_element_type3A_60 = arith.extui %lt3A_59 : i1 to i32
      %cond3A_61 = arith.constant 0 : i32
      %cond3A_62 = arith.cmpi ne, %convert_element_type3A_60, %cond3A_61 : i32
      scf.if %cond3A_62 {
        %add3A_177 = arith.constant 2 : i32
        %add3A_178 = arith.addi %add3A_52, %add3A_177 : i32
        %mul3A_179 = arith.constant 112 : i32
        %mul3A_180 = arith.muli %add3A_178, %mul3A_179 : i32
        %dma_start3A_181 = arith.constant 2 : i32
        %dma_start3A_182 = arith.constant 0 : i32
        %dma_start3A_183 = arith.constant 0 : i32
        %dma_start3A_184 = tpu.memref_slice %arg6[%dma_start3A_181, %dma_start3A_182, %dma_start3A_183] : memref<3x112x64xf32, #tpu.memory_space<vmem>> -> memref<1x112x64xf32, #tpu.memory_space<vmem>>
        %dma_start3A_185 = tpu.memref_squeeze %dma_start3A_184 : memref<1x112x64xf32, #tpu.memory_space<vmem>> -> memref<112x64xf32, #tpu.memory_space<vmem>>
        %dma_start3A_186 = tpu.memref_slice %arg5[%mul3A_180] : memref<31248xi32, #tpu.memory_space<vmem>> -> memref<112xi32, #tpu.memory_space<vmem>>
        %dma_start3A_187 = arith.constant 0 : i32
        %dma_start3A_188 = arith.constant 0 : i32
        %dma_start3A_189 = tpu.memref_slice %arg8[%dma_start3A_187, %dma_start3A_188] : memref<119x64xf32, #tpu.memory_space<vmem_shared>> -> memref<119x64xf32, #tpu.memory_space<vmem_shared>>
        tpu.enqueue_indirect_dma source(%dma_start3A_189 : memref<119x64xf32, #tpu.memory_space<vmem_shared>>) target(%dma_start3A_185 : memref<112x64xf32, #tpu.memory_space<vmem>>) offsets(%dma_start3A_186 : memref<112xi32, #tpu.memory_space<vmem>>) semaphore(%arg11 : memref<!tpu.dma_semaphore, #tpu.memory_space<semaphore_mem>>)
      } else {
      }
      %dma_wait3A_63 = arith.constant 0 : i32
      %dma_wait3A_64 = arith.constant 0 : i32
      %dma_wait3A_65 = arith.constant 0 : i32
      %dma_wait3A_66 = tpu.memref_slice %arg6[%dma_wait3A_63, %dma_wait3A_64, %dma_wait3A_65] : memref<3x112x64xf32, #tpu.memory_space<vmem>> -> memref<1x112x64xf32, #tpu.memory_space<vmem>>
      %dma_wait3A_67 = tpu.memref_squeeze %dma_wait3A_66 : memref<1x112x64xf32, #tpu.memory_space<vmem>> -> memref<112x64xf32, #tpu.memory_space<vmem>>
      %dma_wait3A_68 = arith.constant 0 : i32
      %dma_wait3A_69 = tpu.memref_slice %arg5[%dma_wait3A_68] : memref<31248xi32, #tpu.memory_space<vmem>> -> memref<112xi32, #tpu.memory_space<vmem>>
      %dma_wait3A_70 = arith.constant 0 : i32
      %dma_wait3A_71 = arith.constant 0 : i32
      %dma_wait3A_72 = tpu.memref_slice %arg8[%dma_wait3A_70, %dma_wait3A_71] : memref<119x64xf32, #tpu.memory_space<vmem_shared>> -> memref<119x64xf32, #tpu.memory_space<vmem_shared>>
      tpu.wait_indirect_dma semaphore(%arg9 : memref<!tpu.dma_semaphore, #tpu.memory_space<semaphore_mem>>) src(%dma_wait3A_72 : memref<119x64xf32, #tpu.memory_space<vmem_shared>>) dst(%dma_wait3A_67 : memref<112x64xf32, #tpu.memory_space<vmem>>)
      %mul3A_73 = arith.constant 112 : i32
      %mul3A_74 = arith.muli %add3A_52, %mul3A_73 : i32
      %add3A_75 = arith.addi %multiple_of3A, %mul3A_74 : i32
      %multiple_of3A_76 = tpu.assume_multiple %add3A_75, 8 : i32
      %dma_start3A_77 = arith.constant 0 : i32
      %dma_start3A_78 = arith.constant 0 : i32
      %dma_start3A_79 = arith.constant 0 : i32
      %dma_start3A_80 = tpu.memref_slice %arg6[%dma_start3A_77, %dma_start3A_78, %dma_start3A_79] : memref<3x112x64xf32, #tpu.memory_space<vmem>> -> memref<1x112x64xf32, #tpu.memory_space<vmem>>
      %dma_start3A_81 = tpu.memref_squeeze %dma_start3A_80 : memref<1x112x64xf32, #tpu.memory_space<vmem>> -> memref<112x64xf32, #tpu.memory_space<vmem>>
      %dma_start3A_82 = arith.constant 0 : i32
      %dma_start3A_83 = tpu.memref_slice %arg4[%multiple_of3A_76, %dma_start3A_82] : memref<1000000x64xf32, #tpu.memory_space<hbm>> -> memref<112x64xf32, #tpu.memory_space<hbm>>
      %dma_start3A_84 = arith.constant 0 : i32
      %dma_start3A_85 = tpu.memref_slice %arg4[%multiple_of3A_76, %dma_start3A_84] : memref<1000000x64xf32, #tpu.memory_space<hbm>> -> memref<112x64xf32, #tpu.memory_space<hbm>>
      %dma_start3A_86 = arith.constant 0 : i32
      %dma_start3A_87 = arith.constant 0 : i32
      %dma_start3A_88 = tpu.memref_slice %arg6[%dma_start3A_77, %dma_start3A_86, %dma_start3A_87] : memref<3x112x64xf32, #tpu.memory_space<vmem>> -> memref<1x112x64xf32, #tpu.memory_space<vmem>>
      %dma_start3A_89 = tpu.memref_squeeze %dma_start3A_88 : memref<1x112x64xf32, #tpu.memory_space<vmem>> -> memref<112x64xf32, #tpu.memory_space<vmem>>
      tpu.enqueue_dma source(%dma_start3A_89 : memref<112x64xf32, #tpu.memory_space<vmem>>) target(%dma_start3A_85 : memref<112x64xf32, #tpu.memory_space<hbm>>) target_semaphore(%arg12 : memref<!tpu.dma_semaphore, #tpu.memory_space<semaphore_mem>>)
      %mul3A_90 = arith.constant 3 : i32
      %mul3A_91 = arith.muli %scan3A_47, %mul3A_90 : i32
      %add3A_92 = arith.constant 1 : i32
      %add3A_93 = arith.addi %mul3A_91, %add3A_92 : i32
      %ge3A_94 = arith.constant 1 : i32
      %ge3A_95 = arith.cmpi sge, %add3A_93, %ge3A_94 : i32
      %convert_element_type3A_96 = arith.extui %ge3A_95 : i1 to i32
      %cond3A_97 = arith.constant 0 : i32
      %cond3A_98 = arith.cmpi ne, %convert_element_type3A_96, %cond3A_97 : i32
      scf.if %cond3A_98 {
        %dma_wait3A_177 = arith.constant 0 : i32
        %dma_wait3A_178 = arith.constant 0 : i32
        %dma_wait3A_179 = arith.constant 0 : i32
        %dma_wait3A_180 = tpu.memref_slice %arg6[%dma_wait3A_177, %dma_wait3A_178, %dma_wait3A_179] : memref<3x112x64xf32, #tpu.memory_space<vmem>> -> memref<1x112x64xf32, #tpu.memory_space<vmem>>
        %dma_wait3A_181 = tpu.memref_squeeze %dma_wait3A_180 : memref<1x112x64xf32, #tpu.memory_space<vmem>> -> memref<112x64xf32, #tpu.memory_space<vmem>>
        %dma_wait3A_182 = arith.constant 0 : i32
        %dma_wait3A_183 = tpu.memref_slice %arg4[%multiple_of3A, %dma_wait3A_182] : memref<1000000x64xf32, #tpu.memory_space<hbm>> -> memref<112x64xf32, #tpu.memory_space<hbm>>
        %dma_wait3A_184 = arith.constant 0 : i32
        %dma_wait3A_185 = tpu.memref_slice %arg4[%multiple_of3A, %dma_wait3A_184] : memref<1000000x64xf32, #tpu.memory_space<hbm>> -> memref<112x64xf32, #tpu.memory_space<hbm>>
        %dma_wait3A_186 = arith.constant 0 : i32
        %dma_wait3A_187 = arith.constant 0 : i32
        %dma_wait3A_188 = tpu.memref_slice %arg6[%dma_wait3A_177, %dma_wait3A_186, %dma_wait3A_187] : memref<3x112x64xf32, #tpu.memory_space<vmem>> -> memref<1x112x64xf32, #tpu.memory_space<vmem>>
        %dma_wait3A_189 = tpu.memref_squeeze %dma_wait3A_188 : memref<1x112x64xf32, #tpu.memory_space<vmem>> -> memref<112x64xf32, #tpu.memory_space<vmem>>
        tpu.wait_dma2 semaphore(%arg12 : memref<!tpu.dma_semaphore, #tpu.memory_space<semaphore_mem>>) src(%dma_wait3A_189 : memref<112x64xf32, #tpu.memory_space<vmem>>) dst(%dma_wait3A_185 : memref<112x64xf32, #tpu.memory_space<hbm>>)
      } else {
      }
      %add3A_99 = arith.constant 2 : i32
      %add3A_100 = arith.addi %add3A_93, %add3A_99 : i32
      %lt3A_101 = arith.constant 279 : i32
      %lt3A_102 = arith.cmpi slt, %add3A_100, %lt3A_101 : i32
      %convert_element_type3A_103 = arith.extui %lt3A_102 : i1 to i32
      %cond3A_104 = arith.constant 0 : i32
      %cond3A_105 = arith.cmpi ne, %convert_element_type3A_103, %cond3A_104 : i32
      scf.if %cond3A_105 {
        %add3A_177 = arith.constant 2 : i32
        %add3A_178 = arith.addi %add3A_93, %add3A_177 : i32
        %mul3A_179 = arith.constant 112 : i32
        %mul3A_180 = arith.muli %add3A_178, %mul3A_179 : i32
        %dma_start3A_181 = arith.constant 0 : i32
        %dma_start3A_182 = arith.constant 0 : i32
        %dma_start3A_183 = arith.constant 0 : i32
        %dma_start3A_184 = tpu.memref_slice %arg6[%dma_start3A_181, %dma_start3A_182, %dma_start3A_183] : memref<3x112x64xf32, #tpu.memory_space<vmem>> -> memref<1x112x64xf32, #tpu.memory_space<vmem>>
        %dma_start3A_185 = tpu.memref_squeeze %dma_start3A_184 : memref<1x112x64xf32, #tpu.memory_space<vmem>> -> memref<112x64xf32, #tpu.memory_space<vmem>>
        %dma_start3A_186 = tpu.memref_slice %arg5[%mul3A_180] : memref<31248xi32, #tpu.memory_space<vmem>> -> memref<112xi32, #tpu.memory_space<vmem>>
        %dma_start3A_187 = arith.constant 0 : i32
        %dma_start3A_188 = arith.constant 0 : i32
        %dma_start3A_189 = tpu.memref_slice %arg8[%dma_start3A_187, %dma_start3A_188] : memref<119x64xf32, #tpu.memory_space<vmem_shared>> -> memref<119x64xf32, #tpu.memory_space<vmem_shared>>
        tpu.enqueue_indirect_dma source(%dma_start3A_189 : memref<119x64xf32, #tpu.memory_space<vmem_shared>>) target(%dma_start3A_185 : memref<112x64xf32, #tpu.memory_space<vmem>>) offsets(%dma_start3A_186 : memref<112xi32, #tpu.memory_space<vmem>>) semaphore(%arg9 : memref<!tpu.dma_semaphore, #tpu.memory_space<semaphore_mem>>)
      } else {
      }
      %dma_wait3A_106 = arith.constant 1 : i32
      %dma_wait3A_107 = arith.constant 0 : i32
      %dma_wait3A_108 = arith.constant 0 : i32
      %dma_wait3A_109 = tpu.memref_slice %arg6[%dma_wait3A_106, %dma_wait3A_107, %dma_wait3A_108] : memref<3x112x64xf32, #tpu.memory_space<vmem>> -> memref<1x112x64xf32, #tpu.memory_space<vmem>>
      %dma_wait3A_110 = tpu.memref_squeeze %dma_wait3A_109 : memref<1x112x64xf32, #tpu.memory_space<vmem>> -> memref<112x64xf32, #tpu.memory_space<vmem>>
      %dma_wait3A_111 = arith.constant 0 : i32
      %dma_wait3A_112 = tpu.memref_slice %arg5[%dma_wait3A_111] : memref<31248xi32, #tpu.memory_space<vmem>> -> memref<112xi32, #tpu.memory_space<vmem>>
      %dma_wait3A_113 = arith.constant 0 : i32
      %dma_wait3A_114 = arith.constant 0 : i32
      %dma_wait3A_115 = tpu.memref_slice %arg8[%dma_wait3A_113, %dma_wait3A_114] : memref<119x64xf32, #tpu.memory_space<vmem_shared>> -> memref<119x64xf32, #tpu.memory_space<vmem_shared>>
      tpu.wait_indirect_dma semaphore(%arg10 : memref<!tpu.dma_semaphore, #tpu.memory_space<semaphore_mem>>) src(%dma_wait3A_115 : memref<119x64xf32, #tpu.memory_space<vmem_shared>>) dst(%dma_wait3A_110 : memref<112x64xf32, #tpu.memory_space<vmem>>)
      %mul3A_116 = arith.constant 112 : i32
      %mul3A_117 = arith.muli %add3A_93, %mul3A_116 : i32
      %add3A_118 = arith.addi %multiple_of3A, %mul3A_117 : i32
      %multiple_of3A_119 = tpu.assume_multiple %add3A_118, 8 : i32
      %dma_start3A_120 = arith.constant 1 : i32
      %dma_start3A_121 = arith.constant 0 : i32
      %dma_start3A_122 = arith.constant 0 : i32
      %dma_start3A_123 = tpu.memref_slice %arg6[%dma_start3A_120, %dma_start3A_121, %dma_start3A_122] : memref<3x112x64xf32, #tpu.memory_space<vmem>> -> memref<1x112x64xf32, #tpu.memory_space<vmem>>
      %dma_start3A_124 = tpu.memref_squeeze %dma_start3A_123 : memref<1x112x64xf32, #tpu.memory_space<vmem>> -> memref<112x64xf32, #tpu.memory_space<vmem>>
      %dma_start3A_125 = arith.constant 0 : i32
      %dma_start3A_126 = tpu.memref_slice %arg4[%multiple_of3A_119, %dma_start3A_125] : memref<1000000x64xf32, #tpu.memory_space<hbm>> -> memref<112x64xf32, #tpu.memory_space<hbm>>
      %dma_start3A_127 = arith.constant 0 : i32
      %dma_start3A_128 = tpu.memref_slice %arg4[%multiple_of3A_119, %dma_start3A_127] : memref<1000000x64xf32, #tpu.memory_space<hbm>> -> memref<112x64xf32, #tpu.memory_space<hbm>>
      %dma_start3A_129 = arith.constant 0 : i32
      %dma_start3A_130 = arith.constant 0 : i32
      %dma_start3A_131 = tpu.memref_slice %arg6[%dma_start3A_120, %dma_start3A_129, %dma_start3A_130] : memref<3x112x64xf32, #tpu.memory_space<vmem>> -> memref<1x112x64xf32, #tpu.memory_space<vmem>>
      %dma_start3A_132 = tpu.memref_squeeze %dma_start3A_131 : memref<1x112x64xf32, #tpu.memory_space<vmem>> -> memref<112x64xf32, #tpu.memory_space<vmem>>
      tpu.enqueue_dma source(%dma_start3A_132 : memref<112x64xf32, #tpu.memory_space<vmem>>) target(%dma_start3A_128 : memref<112x64xf32, #tpu.memory_space<hbm>>) target_semaphore(%arg13 : memref<!tpu.dma_semaphore, #tpu.memory_space<semaphore_mem>>)
      %mul3A_133 = arith.constant 3 : i32
      %mul3A_134 = arith.muli %scan3A_47, %mul3A_133 : i32
      %add3A_135 = arith.constant 2 : i32
      %add3A_136 = arith.addi %mul3A_134, %add3A_135 : i32
      %ge3A_137 = arith.constant 1 : i32
      %ge3A_138 = arith.cmpi sge, %add3A_136, %ge3A_137 : i32
      %convert_element_type3A_139 = arith.extui %ge3A_138 : i1 to i32
      %cond3A_140 = arith.constant 0 : i32
      %cond3A_141 = arith.cmpi ne, %convert_element_type3A_139, %cond3A_140 : i32
      scf.if %cond3A_141 {
        %dma_wait3A_177 = arith.constant 1 : i32
        %dma_wait3A_178 = arith.constant 0 : i32
        %dma_wait3A_179 = arith.constant 0 : i32
        %dma_wait3A_180 = tpu.memref_slice %arg6[%dma_wait3A_177, %dma_wait3A_178, %dma_wait3A_179] : memref<3x112x64xf32, #tpu.memory_space<vmem>> -> memref<1x112x64xf32, #tpu.memory_space<vmem>>
        %dma_wait3A_181 = tpu.memref_squeeze %dma_wait3A_180 : memref<1x112x64xf32, #tpu.memory_space<vmem>> -> memref<112x64xf32, #tpu.memory_space<vmem>>
        %dma_wait3A_182 = arith.constant 0 : i32
        %dma_wait3A_183 = tpu.memref_slice %arg4[%multiple_of3A, %dma_wait3A_182] : memref<1000000x64xf32, #tpu.memory_space<hbm>> -> memref<112x64xf32, #tpu.memory_space<hbm>>
        %dma_wait3A_184 = arith.constant 0 : i32
        %dma_wait3A_185 = tpu.memref_slice %arg4[%multiple_of3A, %dma_wait3A_184] : memref<1000000x64xf32, #tpu.memory_space<hbm>> -> memref<112x64xf32, #tpu.memory_space<hbm>>
        %dma_wait3A_186 = arith.constant 0 : i32
        %dma_wait3A_187 = arith.constant 0 : i32
        %dma_wait3A_188 = tpu.memref_slice %arg6[%dma_wait3A_177, %dma_wait3A_186, %dma_wait3A_187] : memref<3x112x64xf32, #tpu.memory_space<vmem>> -> memref<1x112x64xf32, #tpu.memory_space<vmem>>
        %dma_wait3A_189 = tpu.memref_squeeze %dma_wait3A_188 : memref<1x112x64xf32, #tpu.memory_space<vmem>> -> memref<112x64xf32, #tpu.memory_space<vmem>>
        tpu.wait_dma2 semaphore(%arg13 : memref<!tpu.dma_semaphore, #tpu.memory_space<semaphore_mem>>) src(%dma_wait3A_189 : memref<112x64xf32, #tpu.memory_space<vmem>>) dst(%dma_wait3A_185 : memref<112x64xf32, #tpu.memory_space<hbm>>)
      } else {
      }
      %add3A_142 = arith.constant 2 : i32
      %add3A_143 = arith.addi %add3A_136, %add3A_142 : i32
      %lt3A_144 = arith.constant 279 : i32
      %lt3A_145 = arith.cmpi slt, %add3A_143, %lt3A_144 : i32
      %convert_element_type3A_146 = arith.extui %lt3A_145 : i1 to i32
      %cond3A_147 = arith.constant 0 : i32
      %cond3A_148 = arith.cmpi ne, %convert_element_type3A_146, %cond3A_147 : i32
      scf.if %cond3A_148 {
        %add3A_177 = arith.constant 2 : i32
        %add3A_178 = arith.addi %add3A_136, %add3A_177 : i32
        %mul3A_179 = arith.constant 112 : i32
        %mul3A_180 = arith.muli %add3A_178, %mul3A_179 : i32
        %dma_start3A_181 = arith.constant 1 : i32
        %dma_start3A_182 = arith.constant 0 : i32
        %dma_start3A_183 = arith.constant 0 : i32
        %dma_start3A_184 = tpu.memref_slice %arg6[%dma_start3A_181, %dma_start3A_182, %dma_start3A_183] : memref<3x112x64xf32, #tpu.memory_space<vmem>> -> memref<1x112x64xf32, #tpu.memory_space<vmem>>
        %dma_start3A_185 = tpu.memref_squeeze %dma_start3A_184 : memref<1x112x64xf32, #tpu.memory_space<vmem>> -> memref<112x64xf32, #tpu.memory_space<vmem>>
        %dma_start3A_186 = tpu.memref_slice %arg5[%mul3A_180] : memref<31248xi32, #tpu.memory_space<vmem>> -> memref<112xi32, #tpu.memory_space<vmem>>
        %dma_start3A_187 = arith.constant 0 : i32
        %dma_start3A_188 = arith.constant 0 : i32
        %dma_start3A_189 = tpu.memref_slice %arg8[%dma_start3A_187, %dma_start3A_188] : memref<119x64xf32, #tpu.memory_space<vmem_shared>> -> memref<119x64xf32, #tpu.memory_space<vmem_shared>>
        tpu.enqueue_indirect_dma source(%dma_start3A_189 : memref<119x64xf32, #tpu.memory_space<vmem_shared>>) target(%dma_start3A_185 : memref<112x64xf32, #tpu.memory_space<vmem>>) offsets(%dma_start3A_186 : memref<112xi32, #tpu.memory_space<vmem>>) semaphore(%arg10 : memref<!tpu.dma_semaphore, #tpu.memory_space<semaphore_mem>>)
      } else {
      }
      %dma_wait3A_149 = arith.constant 2 : i32
      %dma_wait3A_150 = arith.constant 0 : i32
      %dma_wait3A_151 = arith.constant 0 : i32
      %dma_wait3A_152 = tpu.memref_slice %arg6[%dma_wait3A_149, %dma_wait3A_150, %dma_wait3A_151] : memref<3x112x64xf32, #tpu.memory_space<vmem>> -> memref<1x112x64xf32, #tpu.memory_space<vmem>>
      %dma_wait3A_153 = tpu.memref_squeeze %dma_wait3A_152 : memref<1x112x64xf32, #tpu.memory_space<vmem>> -> memref<112x64xf32, #tpu.memory_space<vmem>>
      %dma_wait3A_154 = arith.constant 0 : i32
      %dma_wait3A_155 = tpu.memref_slice %arg5[%dma_wait3A_154] : memref<31248xi32, #tpu.memory_space<vmem>> -> memref<112xi32, #tpu.memory_space<vmem>>
      %dma_wait3A_156 = arith.constant 0 : i32
      %dma_wait3A_157 = arith.constant 0 : i32
      %dma_wait3A_158 = tpu.memref_slice %arg8[%dma_wait3A_156, %dma_wait3A_157] : memref<119x64xf32, #tpu.memory_space<vmem_shared>> -> memref<119x64xf32, #tpu.memory_space<vmem_shared>>
      tpu.wait_indirect_dma semaphore(%arg11 : memref<!tpu.dma_semaphore, #tpu.memory_space<semaphore_mem>>) src(%dma_wait3A_158 : memref<119x64xf32, #tpu.memory_space<vmem_shared>>) dst(%dma_wait3A_153 : memref<112x64xf32, #tpu.memory_space<vmem>>)
      %mul3A_159 = arith.constant 112 : i32
      %mul3A_160 = arith.muli %add3A_136, %mul3A_159 : i32
      %add3A_161 = arith.addi %multiple_of3A, %mul3A_160 : i32
      %multiple_of3A_162 = tpu.assume_multiple %add3A_161, 8 : i32
      %dma_start3A_163 = arith.constant 2 : i32
      %dma_start3A_164 = arith.constant 0 : i32
      %dma_start3A_165 = arith.constant 0 : i32
      %dma_start3A_166 = tpu.memref_slice %arg6[%dma_start3A_163, %dma_start3A_164, %dma_start3A_165] : memref<3x112x64xf32, #tpu.memory_space<vmem>> -> memref<1x112x64xf32, #tpu.memory_space<vmem>>
      %dma_start3A_167 = tpu.memref_squeeze %dma_start3A_166 : memref<1x112x64xf32, #tpu.memory_space<vmem>> -> memref<112x64xf32, #tpu.memory_space<vmem>>
      %dma_start3A_168 = arith.constant 0 : i32
      %dma_start3A_169 = tpu.memref_slice %arg4[%multiple_of3A_162, %dma_start3A_168] : memref<1000000x64xf32, #tpu.memory_space<hbm>> -> memref<112x64xf32, #tpu.memory_space<hbm>>
      %dma_start3A_170 = arith.constant 0 : i32
      %dma_start3A_171 = tpu.memref_slice %arg4[%multiple_of3A_162, %dma_start3A_170] : memref<1000000x64xf32, #tpu.memory_space<hbm>> -> memref<112x64xf32, #tpu.memory_space<hbm>>
      %dma_start3A_172 = arith.constant 0 : i32
      %dma_start3A_173 = arith.constant 0 : i32
      %dma_start3A_174 = tpu.memref_slice %arg6[%dma_start3A_163, %dma_start3A_172, %dma_start3A_173] : memref<3x112x64xf32, #tpu.memory_space<vmem>> -> memref<1x112x64xf32, #tpu.memory_space<vmem>>
      %dma_start3A_175 = tpu.memref_squeeze %dma_start3A_174 : memref<1x112x64xf32, #tpu.memory_space<vmem>> -> memref<112x64xf32, #tpu.memory_space<vmem>>
      tpu.enqueue_dma source(%dma_start3A_175 : memref<112x64xf32, #tpu.memory_space<vmem>>) target(%dma_start3A_171 : memref<112x64xf32, #tpu.memory_space<hbm>>) target_semaphore(%arg14 : memref<!tpu.dma_semaphore, #tpu.memory_space<semaphore_mem>>)
      %scan3A_176 = arith.constant 0 : i32
      scf.yield %scan3A_176 : i32
    }
    %scan3A_34 = arith.constant 93 : i32
    %dma_wait3A = arith.constant 2 : i32
    %dma_wait3A_35 = arith.constant 0 : i32
    %dma_wait3A_36 = arith.constant 0 : i32
    %dma_wait3A_37 = tpu.memref_slice %arg6[%dma_wait3A, %dma_wait3A_35, %dma_wait3A_36] : memref<3x112x64xf32, #tpu.memory_space<vmem>> -> memref<1x112x64xf32, #tpu.memory_space<vmem>>
    %dma_wait3A_38 = tpu.memref_squeeze %dma_wait3A_37 : memref<1x112x64xf32, #tpu.memory_space<vmem>> -> memref<112x64xf32, #tpu.memory_space<vmem>>
    %dma_wait3A_39 = arith.constant 0 : i32
    %dma_wait3A_40 = tpu.memref_slice %arg4[%multiple_of3A, %dma_wait3A_39] : memref<1000000x64xf32, #tpu.memory_space<hbm>> -> memref<112x64xf32, #tpu.memory_space<hbm>>
    %dma_wait3A_41 = arith.constant 0 : i32
    %dma_wait3A_42 = tpu.memref_slice %arg4[%multiple_of3A, %dma_wait3A_41] : memref<1000000x64xf32, #tpu.memory_space<hbm>> -> memref<112x64xf32, #tpu.memory_space<hbm>>
    %dma_wait3A_43 = arith.constant 0 : i32
    %dma_wait3A_44 = arith.constant 0 : i32
    %dma_wait3A_45 = tpu.memref_slice %arg6[%dma_wait3A, %dma_wait3A_43, %dma_wait3A_44] : memref<3x112x64xf32, #tpu.memory_space<vmem>> -> memref<1x112x64xf32, #tpu.memory_space<vmem>>
    %dma_wait3A_46 = tpu.memref_squeeze %dma_wait3A_45 : memref<1x112x64xf32, #tpu.memory_space<vmem>> -> memref<112x64xf32, #tpu.memory_space<vmem>>
    tpu.wait_dma2 semaphore(%arg14 : memref<!tpu.dma_semaphore, #tpu.memory_space<semaphore_mem>>) src(%dma_wait3A_46 : memref<112x64xf32, #tpu.memory_space<vmem>>) dst(%dma_wait3A_42 : memref<112x64xf32, #tpu.memory_space<hbm>>)
    return
  }
}

</mosaic_0001>

<sc_bundles>
// kernel: kernel.3.cloned.1.call-start
scs
__scs_entry_jumppad:
0x0: {  	(pc) =	sbr.rel $0x88, $3  }
0x1: {  	(tag) =	ssettag $0x0;
	lr =	simm.s32 $0x1  }
0x2: {  	[smem:$0x3F9F] =	sst lr;
	_ =	strace $0xD0000000  }
0x3: {  	_ = 	snop  }
0x4: {  	_ = 	snop  }
0x5: {  	_ = 	snop  }
0x6: {  	_ = 	snop  }
0x7: {  	_ = 	snop  }
__scs_overlays_trampoline_lowered:
0x8: {  	[smem:$0x3FAE] =	sst s0  }
0x9: {  	[smem:$0x3FAF] =	sst s1  }
0xa: {  	[smem:$0x3FB0] =	sst s2  }
0xb: {  	[smem:$0x3FB1] =	sst s3  }
0xc: {  	[smem:$0x3FB2] =	sst s4  }
0xd: {  	[smem:$0x3FB3] =	sst s5  }
0xe: {  	[smem:$0x3FB4] =	sst s6  }
0xf: {  	[smem:$0x3FB5] =	sst s7  }
0x10: {  	[smem:$0x3FB6] =	sst s8  }
0x11: {  	[smem:$0x3FB7] =	sst s9;
	s0 =	simm.s32 @!p0 $0x0  }
0x12: {  	s1 =	sld [smem:$0x3F9D];
	s0 =	simm.s32 @p0 $0x1  }
0x13: {  	[smem:$0x3FB8] =	sst s0;
	s0 =	simm.s32 @!p1 $0x0  }
0x14: {  	s2 =	sld [smem:$0x3F9C];
	s0 =	simm.s32 @p1 $0x1  }
0x15: {  	[smem:$0x3FB9] =	sst s0;
	s0 =	simm.s32 @!p2 $0x0  }
0x16: {  	s3 =	sld [smem:$0x3FDB];
	s0 =	simm.s32 @p2 $0x1  }
0x17: {  	s4 =	simm.s32 $0x1BF5;
	[smem:$0x3FBB] =	sst s0  }
0x18: {  	s0 =	sld [smem:$0x3F9E];
	_ =	swait.ge [sflag:s4], $0x0  }
0x19: {  	s7 =	sld [smem:$0x3F9F]  }
0x1a: {  	s8 =	sadd.s32 $0xFFFFE003, lr  }
0x1b: {  	s9 =	sadd.s32 $0xFFFFFEF7, lr;
	s5 =	simm.s32 $0xFFFFFFFF;
	p2 =	slt.u32 s8, $0xFFFFF086  }
0x1c: {  	p1 =	slt.u32 s9, $0xF7A;
	s5 =	simm.s32 @!p2 $0x0  }
0x1d: {  	s5 =	simm.s32 @p1 $0x1;
	p0 =	seq.s32 s7, s2  }
0x1e: {  	s7 =	smul.u32 @!p0 $0xF7A, s2;
	p2 =	seq.s32 @!p0 s5, $0x0  }
0x1f: {  	s9 =	smul.u32 $0xF7A, s1;
	s8 =	simm.s32 @!p0 $0x1BF5;
	p2 =	por !p2, p0  }
0x20: {  	[sflag:s8] =	ssyncset.s32 @!p0 $0xFFFFF086;
	s6 =	sadd.s32 @!p0 s3, s7;
	s7 =	simm.s32 @!p0 $0x108  }
0x21: {  	s3 =	sadd.s32 s3, s9;
	s6 =	sadd.s32 @!p0 $0x88, s6;
	s7 =	simm.s32 @p2 $0x1082  }
0x22: {  	[simem:s7], [sflag:s8] =	dma.local @!p0 [hbm:s6], $0xF7A  }
0x23: {  	s9 =	sor.u32 $0xD0000000, s2;
	s6 =	simm.s32 $0x108;
	_ =	swait.ge @!p0 [sflag:s8], $0x0  }
0x24: {  	s3 =	sadd.s32 $0x88, s3;
	s6 =	simm.s32 @!p1 $0x1082;
	[sflag:s4] =	ssyncset.s32 $0xFFFFF086  }
0x25: {  	[simem:s6], [sflag:s4] =	dma.local [hbm:s3], $0xF7A  }
0x26: {  	[smem:$0x3F9F] =	sst s1;
	(tag) =	ssettag s2;
	_ =	strace s9  }
0x27: {  	s1 =	sld [smem:$0x3FAF]  }
0x28: {  	s2 =	sld [smem:$0x3FB0]  }
0x29: {  	s4 =	sld [smem:$0x3FB2]  }
0x2a: {  	p0 =	seq.s32 s5, $0x0;
	s5 =	sld [smem:$0x3FB3]  }
0x2b: {  	s6 =	sld [smem:$0x3FB4]  }
0x2c: {  	s7 =	sld [smem:$0x3FB5]  }
0x2d: {  	s3 =	simm.s32 $0x108;
	s8 =	sld [smem:$0x3FB6]  }
0x2e: {  	s3 =	simm.s32 @!p0 $0x1082;
	s9 =	sld [smem:$0x3FB7]  }
0x2f: {  	lr =	sadd.s32 s0, s3;
	s0 =	sld [smem:$0x3FAE]  }
0x30: {  	s3 =	sld [smem:$0x3FB1]  }
0x31: {  	[smem:$0x3FBA] =	sst s10  }
0x32: {  	s10 =	sld [smem:$0x3FB8];
	_ =	sdelay $0x3  }
0x33: {  	p0 =	seq.s32 s10, $0x1;
	s10 =	sld [smem:$0x3FBA];
	_ =	sdelay $0x3  }
0x34: {  	[smem:$0x3FBA] =	sst s10  }
0x35: {  	s10 =	sld [smem:$0x3FB9];
	_ =	sdelay $0x3  }
0x36: {  	p1 =	seq.s32 s10, $0x1;
	s10 =	sld [smem:$0x3FBA];
	_ =	sdelay $0x3  }
0x37: {  	[smem:$0x3FBA] =	sst s10  }
0x38: {  	s10 =	sld [smem:$0x3FBB]  }
0x39: {  	_ = 	snop;
	(pc) =	sbr.ind lr, $3  }
0x3a: {  	_ = 	snop  }
0x3b: {  	_ = 	snop  }
0x3c: {  	p2 =	seq.s32 s10, $0x1;
	s10 =	sld [smem:$0x3FBA]  }
0x3d: {  	_ =	shalt  }
0x3e: {  	_ =	shalt  }
0x3f: {  	_ =	shalt  }
0x40: {  	_ =	shalt  }
0x41: {  	_ =	shalt  }
0x42: {  	_ =	shalt  }
0x43: {  	_ =	shalt  }
0x44: {  	_ =	shalt  }
0x45: {  	_ =	shalt  }
0x46: {  	_ =	shalt  }
0x47: {  	_ =	shalt  }
0x48: {  	_ =	shalt  }
0x49: {  	_ =	shalt  }
0x4a: {  	_ =	shalt  }
0x4b: {  	_ =	shalt  }
0x4c: {  	_ =	shalt  }
0x4d: {  	_ =	shalt  }
0x4e: {  	_ =	shalt  }
0x4f: {  	_ =	shalt  }
0x50: {  	_ =	shalt  }
0x51: {  	_ =	shalt  }
0x52: {  	_ =	shalt  }
0x53: {  	_ =	shalt  }
0x54: {  	_ =	shalt  }
0x55: {  	_ =	shalt  }
0x56: {  	_ =	shalt  }
0x57: {  	_ =	shalt  }
0x58: {  	_ =	shalt  }
0x59: {  	_ =	shalt  }
0x5a: {  	_ =	shalt  }
0x5b: {  	_ =	shalt  }
0x5c: {  	_ =	shalt  }
0x5d: {  	_ =	shalt  }
0x5e: {  	_ =	shalt  }
0x5f: {  	_ =	shalt  }
0x60: {  	_ =	shalt  }
0x61: {  	_ =	shalt  }
0x62: {  	_ =	shalt  }
0x63: {  	_ =	shalt  }
0x64: {  	_ =	shalt  }
0x65: {  	_ =	shalt  }
0x66: {  	_ =	shalt  }
0x67: {  	_ =	shalt  }
0x68: {  	_ =	shalt  }
0x69: {  	_ =	shalt  }
0x6a: {  	_ =	shalt  }
0x6b: {  	_ =	shalt  }
0x6c: {  	_ =	shalt  }
0x6d: {  	_ =	shalt  }
0x6e: {  	_ =	shalt  }
0x6f: {  	_ =	shalt  }
0x70: {  	_ =	shalt  }
0x71: {  	_ =	shalt  }
0x72: {  	_ =	shalt  }
0x73: {  	_ =	shalt  }
0x74: {  	_ =	shalt  }
0x75: {  	_ =	shalt  }
0x76: {  	_ =	shalt  }
0x77: {  	_ =	shalt  }
0x78: {  	_ =	shalt  }
0x79: {  	_ =	shalt  }
0x7a: {  	_ =	shalt  }
0x7b: {  	_ =	shalt  }
0x7c: {  	_ =	shalt  }
0x7d: {  	_ =	shalt  }
0x7e: {  	_ =	shalt  }
0x7f: {  	_ =	shalt  }
0x80: {  	_ =	shalt  }
0x81: {  	_ =	shalt  }
0x82: {  	_ =	shalt  }
0x83: {  	_ =	shalt  }
0x84: {  	_ =	shalt  }
0x85: {  	_ =	shalt  }
0x86: {  	_ =	shalt  }
0x87: {  	_ =	shalt  }
.Lfunc_end0:
.L_simem_size_0:
called_computation_lowered:
.L_overlay_start_0:
0x88: {  	s2 =	sld [smem:$0x3FD9]  }
0x89: {  	s3 =	sld [smem:$0x3FFE];
	_ =	sdelay $0x1  }
0x8a: {  	s1 =	srdreg.scid  }
0x8b: {  	s0 =	sand.u32 $0x1, s1  }
0x8c: {  	s17 =	sshll.u32 s0, $0xA;
	s2 =	sadd.s32 s3, s2  }
0x8d: {  	s2 =	sadd.s32 s2, s17  }
0x8e: {  	[smem:$0x3FC6] =	sst s2  }
0x8f: {  	_ = 	snop  }
0x90: {  	s2 =	sld [smem:$0x3FC9]  }
0x91: {  	s18 =	sld [smem:$0x3FD0];
	(tm) =	ssettm $0x1  }
0x92: {  	s4 =	sld [smem:$0x3FFB];
	_ =	sdelay $0x3  }
0x93: {  	_ =	strace s4  }
0x94: {  	s4 =	sld [smem:$0x3FFC];
	_ =	sdelay $0x3  }
0x95: {  	_ =	strace s4  }
0x96: {  	s4 =	sld [smem:$0x3FFD];
	_ =	sdelay $0x3  }
0x97: {  	_ =	strace s4  }
0x98: {  	_ =	strace $0x8FFFFFFF  }
0x99: {  	s19 =	sld [smem:$0x3FDB];
	_ =	sdelay $0x1  }
0x9a: {  	s5 =	simm.s32 $_scs_section_size  }
0x9b: {  	s6 =	simm.s32 $_size__tile_overlayer_lowered;
	s7 =	simm.s32 $_tile_overlayer_lowered  }
0x9c: {  	s22 =	simm.s32 $0x1BFF;
	s21 =	sshll.u32 s7, $0x1;
	s4 =	sadd.s32 s5, s19  }
0x9d: {  	s8 =	simm.s32 $0x0;
	s20 =	sshll.u32 s6, $0x1;
	s6 =	sadd.s32 s21, s4  }
0x9e: {  	[timem:s8], [sflag:s22] =	dma.local [hbm:s6], s20  }
0x9f: {  	_ =	swait.ge [sflag:s22], s20  }
0xa0: {  	s5 =	ssub.s32 $0x0, s20;
	[sflag:s22] =	ssyncset.done $0x0  }
0xa1: {  	[sflag:s22] =	ssyncadd.s32 s5;
	_ =	sdelay $0x1  }
0xa2: {  	s23 =	simm.s32 $0x1B8B  }
0xa3: {  	_ =	swait.ge [sflag:s23], $0x1  }
0xa4: {  	[sflag:s23] =	ssyncset.done $0x0  }
0xa5: {  	s25 =	simm.s32 $0x1B8E;
	s24 =	sld [smem:$0x3FFE];
	[sflag:s23] =	ssyncadd.s32 $0xFFFFFFFF  }
0xa6: {  	s26 =	simm.s32 $execute0_lowered;
	[smem:$0x3FD2] =	sst s25  }
0xa7: {  	s6 =	sshll.u32 s26, $0x1;
	_ =	strace $0x80000046;
	[dreg:$0x1] =	wrdreg $0xFFFFFFFF  }
0xa8: {  	s28 =	simm.s32 $_size_execute0_lowered;
	s4 =	sadd.s32 s4, s6;
	[dreg:$0x0] =	wrdreg $0x0  }
0xa9: {  	s6 =	sshll.u32 s28, $0x1;
	[dreg:$0x2] =	wrdreg s4  }
0xaa: {  	[dreg:$0x3] =	wrdreg s6  }
0xab: {  	[dreg:$0x4] =	wrdreg $0xC0  }
0xac: {  	_ =	task [dreg:s8], $0x5FFFF  }
0xad: {  	[dreg:$0x1] =	wrdreg $0xFFFFFFFF  }
0xae: {  	[dreg:$0x0] =	wrdreg $0x60  }
0xaf: {  	[dreg:$0x2] =	wrdreg s2  }
0xb0: {  	[dreg:$0x3] =	wrdreg s18  }
0xb1: {  	[dreg:$0x4] =	wrdreg s24  }
0xb2: {  	[dreg:$0x5] =	wrdreg $0x15E800  }
0xb3: {  	[dreg:$0x6] =	wrdreg $0x9  }
0xb4: {  	_ =	task.clear_ibuf [dreg:s8], $0x7FFFF;
	_ =	strace $0x90000046  }
0xb5: {  	s29 =	simm.s32 $0x9;
	_ =	strace $0x80000048  }
0xb6: {  	_ =	swait.ge [sflag:s29], $0x1  }
0xb7: {  	[sflag:s29] =	ssyncadd.s32 $0xFFFFFFFF  }
0xb8: {  	_ =	strace $0x90000048  }
0xb9: {  	_ =	sfence  }
0xba: {  	s30 =	sld [smem:$0x0];
	_ =	sdelay $0x2  }
0xbb: {  	s31 =	sshll.u32 s1, $0xD;
	s1 =	sshrl.u32 s1, $0x2  }
0xbc: {  	s3 =	sand.u32 $0x4000, s31;
	s1 =	sadd.s32 s1, s30  }
0xbd: {  	s0 =	sor.u32 s3, s0;
	s1 =	sshll.u32 s1, $0x11  }
0xbe: {  	s0 =	sor.u32 s1, s0  }
0xbf: {  	s0 =	sadd.s32 $0x8F2B, s0  }
0xc0: {  	[sflag:s0] =	ssyncadd.remote.s32 $0x1  }
0xc1: {  	_ =	sfence.sel $0xFFFF  }
0xc2: {  	[dreg:$0x0] =	wrdreg $0xFFFFFFFF;
	(pc) =	sbr.abs _section_cstart, $3  }
0xc3: {  	[dreg:$0x1] =	wrdreg $0xFFFFFFFF  }
0xc4: {  	_ =	task.clear_ibuf [dreg:s8], $0x2FFFF;
	_ =	strace $0x9FFFFFFF  }
0xc5: {  	(tm) =	ssettm $0x7FFFFFFF  }
tec
execute0_lowered:
.L_overlay_start_1:
0x0: {  	(tag) =	ssettag $0x1  }
0x1: {  	s0 =	rddreg [dreg:$0x0]  }
0x2: {  	s1 =	rddreg [dreg:$0x2]  }
0x3: {  	s2 =	rddreg [dreg:$0x3]  }
0x4: {  	s4 =	srdreg.scid;
	s15 =	stileid.u32;
	s3 =	simm.s32 $0x0  }
0x5: {  	s17 =	simm.s32 $0x7A80;
	s18 =	simm.s32 $0xB280;
	s20 =	simm.s32 $0xEA80  }
0x6: {  	s28 =	simm.s32 $0x3;
	s29 =	simm.s32 $0x6;
	s30 =	simm.s32 $0x79A0  }
0x7: {  	s31 =	simm.s32 $0x0;
	s8 =	sand.u32 $0x1, s4;
	s21 =	sshll.u32 s15, $0x1  }
0x8: {  	[smem:$0x7FF] =	sst s3;
	s10 =	sadd.s32 $0x400, s1;
	s4 =	sadd.s32 $0x1E840, s0  }
0x9: {  	s25 =	smul.u32 $0xF4200, s15;
	p0 =	sne.s32 s15, $0x0;
	s15 =	simm.s32 $0x7  }
0xa: {  	s5 =	ssub.s32 $0x2, s8;
	s16 =	sor.u32 s8, s21;
	s12 =	smul.u32 $0x7A100, s8  }
0xb: {  	_ =	strace $0x80000047;
	s21 =	simm.s32 $0x1;
	s7 =	smul.u32 $0x7A10, s16  }
0xc: {  	s22 =	sshrl.u32 s5, $0x1;
	s11 =	smul.u32 $0x7A100, s16;
	s26 =	sadd.s32 s25, s10  }
0xd: {  	p1 =	sne.s32 s16, $0x1F;
	s16 =	simm.s32 $0x70;
	s25 =	simm.s32 $0x5  }
0xe: {  	s9 =	ssub.s32 s5, s22;
	s5 =	sadd.s32 $0xF42400, s1;
	s22 =	simm.s32 $0x4  }
0xf: {  	s23 =	sshrl.u32 s7, $0x3;
	s24 =	sshll.u32 s7, $0x4;
	s7 =	smax.u32 s9, $0x1  }
0x10: {  	s8 =	sadd.s32 s10, s11;
	s6 =	sadd.s32 s0, s23;
	s0 =	sadd.s32 s10, s24  }
0x11: {  	s10 =	sadd.s32 $0xE00, s8;
	s11 =	sadd.s32 $0x78C00, s8;
	s13 =	sadd.s32 $0x79A00, s8  }
0x12: {  	s24 =	simm.s32 $0x2;
	s9 =	sadd.s32 $0x700, s0;
	s0 =	sadd.s32 s12, s26  }
0x13: {  	s12 =	sadd.s32 $0x79300, s8;
	s26 =	simm.s32 $0x1C0;
	s14 =	sadd.s32 $0x1500, s0  }
.LBB2_1:
0x14: {  	s0 =	simm.s32 @!p0 $0x0;
	s1 =	simm.s32 @!p0 $0x12280;
	s19 =	rddreg [dreg:$0x1]  }
0x15: {  	[tilespmem:s1], [sflag:$0x7] =	stream.linear.gather @!p0 [hbm4b:s19+s0], $0x3B80, $0x38;
	[tilespmem:$0x16060] =	vst v63  }
0x16: {  	s0 =	simm.s32 @!p0 $0x7  }
0x17: {  	_ =	swait.ge @!p0 [sflag:s0], $0x3B80  }
0x18: {  	[sflag:s0] =	ssyncset.done @!p0 $0x0  }
0x19: {  	[sflag:s0] =	ssyncadd.s32 @!p0 $0xFFFFC480  }
0x1a: {  	[spmem:s2] =	stream.linear.scatter @!p0 [tilespmem:s1], [sflag:$0x7], $0x3B80, $0x38;
	[tilespmem:$0x16060] =	vst v63  }
0x1b: {  	_ =	swait.ge @!p0 [sflag:s0], $0x3B80  }
0x1c: {  	[sflag:s0] =	ssyncset.done @!p0 $0x0  }
0x1d: {  	[sflag:s0] =	ssyncadd.s32 @!p0 $0xFFFFC480  }
0x1e: {  	s1 =	simm.s32 @!p1 $0x7;
	s0 =	simm.s32 @!p1 $0x0;
	[bflag:$0x0] =	sbarrier.arrive $0xFFFF  }
0x1f: {  	[tilespmem:s0], [sflag:$0x7] =	stream.linear.gather @!p1 [hbm4b:s4+s0], $0x40, $0x38;
	[tilespmem:$0x16060] =	vst v63  }
0x20: {  	_ =	swait.ge @!p1 [sflag:s1], $0x40  }
0x21: {  	[sflag:s1] =	ssyncset.done @!p1 $0x0  }
0x22: {  	s23 =	simm.s32 @!p1 $0x7A80;
	s19 =	simm.s32 @!p1 $0x40;
	[sflag:s1] =	ssyncadd.s32 @!p1 $0xFFFFFFC0  }
0x23: {  	[tilespmem:s23], [sflag:$0x1] =	stream.indirect.gather @!p1 [spmem:s2], $0x40, s0, s19, $0xb8;
	[tilespmem:$0x16060] =	vst v63  }
0x24: {  	s19 =	simm.s32 @!p1 $0x1  }
0x25: {  	_ =	swait.ge @!p1 [sflag:s19], $0x1000  }
0x26: {  	[sflag:s19] =	ssyncset.done @!p1 $0x0  }
0x27: {  	[sflag:s19] =	ssyncadd.s32 @!p1 $0xFFFFF000  }
0x28: {  	[hbm4b:s5+s0] =	stream.linear.scatter @!p1 [tilespmem:s23], [sflag:$0x7], $0x2000, $0x38;
	[tilespmem:$0x16060] =	vst v63  }
0x29: {  	_ =	swait.ge @!p1 [sflag:s1], $0x2000  }
0x2a: {  	[sflag:s1] =	ssyncset.done @!p1 $0x0  }
0x2b: {  	[sflag:s1] =	ssyncadd.s32 @!p1 $0xFFFFE000  }
0x2c: {  	[tilespmem:s3], [sflag:$0x7] =	stream.linear.gather [hbm4b:s6+s3], $0x7A10, $0x38;
	[tilespmem:$0x16060] =	vst v63  }
0x2d: {  	_ =	swait.ge [sflag:s15], $0x7A10  }
0x2e: {  	[sflag:s15] =	ssyncset.done $0x0  }
0x2f: {  	[sflag:s15] =	ssyncadd.s32 $0xFFFF85F0  }
0x30: {  	[tilespmem:s17], [sflag:$0x1] =	stream.indirect.gather [spmem:s2], $0x40, s3, s16, $0xb8;
	[tilespmem:$0x16060] =	vst v63  }
0x31: {  	_ = 	snop  }
0x32: {  	[tilespmem:s18], [sflag:$0x2] =	stream.indirect.gather [spmem:s2], $0x40, s16, s16, $0xb8;
	[tilespmem:$0x16060] =	vst v63  }
0x33: {  	s1 =	simm.s32 $0xE0  }
0x34: {  	[tilespmem:s20], [sflag:$0x3] =	stream.indirect.gather [spmem:s2], $0x40, s1, s16, $0xb8;
	[tilespmem:$0x16060] =	vst v63  }
0x35: {  	_ =	swait.ge [sflag:s21], $0x1C00  }
0x36: {  	[sflag:s21] =	ssyncset.done $0x0  }
0x37: {  	[sflag:s21] =	ssyncadd.s32 $0xFFFFE400  }
0x38: {  	[hbm4b:s8+s3] =	stream.linear.scatter [tilespmem:s17], [sflag:$0x4], $0x3800, $0x38;
	[tilespmem:$0x16060] =	vst v63  }
0x39: {  	_ =	swait.ge [sflag:s22], $0x3800  }
0x3a: {  	[sflag:s22] =	ssyncset.done $0x0  }
0x3b: {  	s19 =	simm.s32 $0x150;
	[sflag:s22] =	ssyncadd.s32 $0xFFFFC800  }
0x3c: {  	[tilespmem:s17], [sflag:$0x1] =	stream.indirect.gather [spmem:s2], $0x40, s19, s16, $0xb8;
	[tilespmem:$0x16060] =	vst v63  }
0x3d: {  	_ =	swait.ge [sflag:s24], $0x1C00  }
0x3e: {  	[sflag:s24] =	ssyncset.done $0x0  }
0x3f: {  	[sflag:s24] =	ssyncadd.s32 $0xFFFFE400  }
0x40: {  	[hbm4b:s9+s3] =	stream.linear.scatter [tilespmem:s18], [sflag:$0x5], $0x3800, $0x38;
	[tilespmem:$0x16060] =	vst v63  }
0x41: {  	_ =	swait.ge [sflag:s25], $0x3800  }
0x42: {  	[sflag:s25] =	ssyncset.done $0x0  }
0x43: {  	[sflag:s25] =	ssyncadd.s32 $0xFFFFC800  }
0x44: {  	[tilespmem:s18], [sflag:$0x2] =	stream.indirect.gather [spmem:s2], $0x40, s26, s16, $0xb8;
	[tilespmem:$0x16060] =	vst v63  }
0x45: {  	_ =	swait.ge [sflag:s28], $0x1C00  }
0x46: {  	[sflag:s28] =	ssyncset.done $0x0  }
0x47: {  	[sflag:s28] =	ssyncadd.s32 $0xFFFFE400  }
0x48: {  	[hbm4b:s10+s3] =	stream.linear.scatter [tilespmem:s20], [sflag:$0x6], $0x3800, $0x38;
	[tilespmem:$0x16060] =	vst v63  }
0x49: {  	_ =	swait.ge [sflag:s29], $0x3800  }
0x4a: {  	[sflag:s29] =	ssyncset.done $0x0  }
0x4b: {  	s23 =	simm.s32 $0x230;
	[sflag:s29] =	ssyncadd.s32 $0xFFFFC800  }
0x4c: {  	[tilespmem:s20], [sflag:$0x3] =	stream.indirect.gather [spmem:s2], $0x40, s23, s16, $0xb8;
	[tilespmem:$0x16060] =	vst v63  }
0x4d: {  	_ =	swait.ge [sflag:s21], $0x1C00  }
0x4e: {  	[sflag:s21] =	ssyncset.done $0x0  }
0x4f: {  	[sflag:s21] =	ssyncadd.s32 $0xFFFFE400  }
0x50: {  	[hbm4b:s14+s3] =	stream.linear.scatter [tilespmem:s17], [sflag:$0x4], $0x3800, $0x38;
	[tilespmem:$0x16060] =	vst v63  }
0x51: {  	_ =	swait.ge [sflag:s22], $0x3800  }
0x52: {  	[sflag:s22] =	ssyncset.done $0x0  }
0x53: {  	s1 =	simm.s32 $0x2A0;
	[sflag:s22] =	ssyncadd.s32 $0xFFFFC800  }
0x54: {  	[tilespmem:s17], [sflag:$0x1] =	stream.indirect.gather [spmem:s2], $0x40, s1, s16, $0xb8;
	[tilespmem:$0x16060] =	vst v63  }
0x55: {  	_ =	swait.ge [sflag:s24], $0x1C00  }
0x56: {  	[sflag:s24] =	ssyncset.done $0x0  }
0x57: {  	s19 =	sadd.s32 $0x700, s14;
	[sflag:s24] =	ssyncadd.s32 $0xFFFFE400  }
0x58: {  	[hbm4b:s19+s3] =	stream.linear.scatter [tilespmem:s18], [sflag:$0x5], $0x3800, $0x38;
	[tilespmem:$0x16060] =	vst v63  }
0x59: {  	_ =	swait.ge [sflag:s25], $0x3800  }
0x5a: {  	[sflag:s25] =	ssyncset.done $0x0  }
0x5b: {  	s23 =	simm.s32 $0x310;
	[sflag:s25] =	ssyncadd.s32 $0xFFFFC800  }
0x5c: {  	[tilespmem:s18], [sflag:$0x2] =	stream.indirect.gather [spmem:s2], $0x40, s23, s16, $0xb8;
	[tilespmem:$0x16060] =	vst v63  }
0x5d: {  	_ =	swait.ge [sflag:s28], $0x1C00  }
0x5e: {  	s0 =	simm.s32 $0x540;
	[sflag:s28] =	ssyncset.done $0x0  }
0x5f: {  	s1 =	sadd.s32 $0x1500, s14;
	s19 =	sadd.s32 $0xE00, s14;
	[sflag:s28] =	ssyncadd.s32 $0xFFFFE400  }
.LBB2_2:
0x60: {  	[hbm4b:s19+s3] =	stream.linear.scatter [tilespmem:s20], [sflag:$0x6], $0x3800, $0x38;
	[tilespmem:$0x16060] =	vst v63  }
0x61: {  	s19 =	smov.u32 s0  }
0x62: {  	p2 =	sne.s32 s0, $0x1D880;
	s0 =	sadd.s32 $0x540, s0;
	_ =	swait.ge [sflag:s29], $0x3800  }
0x63: {  	s19 =	sshra.s32 s19, $0x2;
	[sflag:s29] =	ssyncset.done $0x0  }
0x64: {  	s23 =	sadd.s32 $0x230, s19;
	[sflag:s29] =	ssyncadd.s32 $0xFFFFC800  }
0x65: {  	[tilespmem:s20], [sflag:$0x3] =	stream.indirect.gather [spmem:s2], $0x40, s23, s16, $0xb8;
	[tilespmem:$0x16060] =	vst v63  }
0x66: {  	_ =	swait.ge [sflag:s21], $0x1C00  }
0x67: {  	[sflag:s21] =	ssyncset.done $0x0  }
0x68: {  	[sflag:s21] =	ssyncadd.s32 $0xFFFFE400  }
0x69: {  	[hbm4b:s1+s3] =	stream.linear.scatter [tilespmem:s17], [sflag:$0x4], $0x3800, $0x38;
	[tilespmem:$0x16060] =	vst v63  }
0x6a: {  	_ =	swait.ge [sflag:s22], $0x3800  }
0x6b: {  	[sflag:s22] =	ssyncset.done $0x0  }
0x6c: {  	s23 =	sadd.s32 $0x2A0, s19;
	[sflag:s22] =	ssyncadd.s32 $0xFFFFC800  }
0x6d: {  	[tilespmem:s17], [sflag:$0x1] =	stream.indirect.gather [spmem:s2], $0x40, s23, s16, $0xb8;
	[tilespmem:$0x16060] =	vst v63  }
0x6e: {  	_ =	swait.ge [sflag:s24], $0x1C00  }
0x6f: {  	[sflag:s24] =	ssyncset.done $0x0  }
0x70: {  	s23 =	sadd.s32 $0x700, s1;
	[sflag:s24] =	ssyncadd.s32 $0xFFFFE400  }
0x71: {  	[hbm4b:s23+s3] =	stream.linear.scatter [tilespmem:s18], [sflag:$0x5], $0x3800, $0x38;
	[tilespmem:$0x16060] =	vst v63  }
0x72: {  	_ =	swait.ge [sflag:s25], $0x3800  }
0x73: {  	[sflag:s25] =	ssyncset.done $0x0  }
.Ltmp0:
0x74: {  	s19 =	sadd.s32 $0x310, s19;
	[sflag:s25] =	ssyncadd.s32 $0xFFFFC800;
	(pc) =	sbr.rel @p2 .LBB2_2-.Ltmp0, $4  }
0x75: {  	[tilespmem:s18], [sflag:$0x2] =	stream.indirect.gather [spmem:s2], $0x40, s19, s16, $0xb8;
	[tilespmem:$0x16060] =	vst v63  }
0x76: {  	_ =	swait.ge [sflag:s28], $0x1C00  }
0x77: {  	[sflag:s28] =	ssyncset.done $0x0  }
0x78: {  	s19 =	sadd.s32 $0xE00, s1;
	s1 =	sadd.s32 $0x1500, s1;
	[sflag:s28] =	ssyncadd.s32 $0xFFFFE400  }
0x79: {  	[hbm4b:s19+s3] =	stream.linear.scatter [tilespmem:s20], [sflag:$0x6], $0x3800, $0x38;
	[tilespmem:$0x16060] =	vst v63  }
0x7a: {  	_ =	swait.ge [sflag:s29], $0x3800  }
0x7b: {  	[sflag:s29] =	ssyncset.done $0x0  }
0x7c: {  	[sflag:s29] =	ssyncadd.s32 $0xFFFFC800  }
0x7d: {  	[tilespmem:s20], [sflag:$0x3] =	stream.indirect.gather [spmem:s2], $0x40, s30, s16, $0xb8;
	[tilespmem:$0x16060] =	vst v63  }
0x7e: {  	_ =	swait.ge [sflag:s21], $0x1C00  }
0x7f: {  	[sflag:s21] =	ssyncset.done $0x0  }
0x80: {  	[sflag:s21] =	ssyncadd.s32 $0xFFFFE400  }
0x81: {  	[hbm4b:s11+s3] =	stream.linear.scatter [tilespmem:s17], [sflag:$0x4], $0x3800, $0x38;
	[tilespmem:$0x16060] =	vst v63  }
0x82: {  	_ =	swait.ge [sflag:s22], $0x3800  }
0x83: {  	[sflag:s22] =	ssyncset.done $0x0  }
0x84: {  	[sflag:s22] =	ssyncadd.s32 $0xFFFFC800  }
0x85: {  	_ =	swait.ge [sflag:s24], $0x1C00  }
0x86: {  	[sflag:s24] =	ssyncset.done $0x0  }
0x87: {  	[sflag:s24] =	ssyncadd.s32 $0xFFFFE400  }
0x88: {  	[hbm4b:s12+s3] =	stream.linear.scatter [tilespmem:s18], [sflag:$0x5], $0x3800, $0x38;
	[tilespmem:$0x16060] =	vst v63  }
0x89: {  	_ =	swait.ge [sflag:s25], $0x3800  }
0x8a: {  	[sflag:s25] =	ssyncset.done $0x0  }
0x8b: {  	[sflag:s25] =	ssyncadd.s32 $0xFFFFC800  }
0x8c: {  	s31 =	sadd.s32 $0x1, s31;
	_ =	swait.ge [sflag:s28], $0x1C00  }
0x8d: {  	p2 =	sne.s32 s31, s7;
	[sflag:s28] =	ssyncset.done $0x0  }
.Ltmp1:
0x8e: {  	[sflag:s28] =	ssyncadd.s32 $0xFFFFE400;
	(pc) =	sbr.rel @p2 .LBB2_1-.Ltmp1, $4  }
0x8f: {  	[hbm4b:s13+s3] =	stream.linear.scatter [tilespmem:s20], [sflag:$0x6], $0x3800, $0x38;
	[tilespmem:$0x16060] =	vst v63  }
0x90: {  	_ =	swait.ge [sflag:s29], $0x3800  }
0x91: {  	[sflag:s29] =	ssyncset.done $0x0  }
0x92: {  	[sflag:s29] =	ssyncadd.s32 $0xFFFFC800  }
0x93: {  	_ =	sfence.sel $0x180000  }
0x94: {  	[bflag:$0x0] =	sbarrier.arrive $0xFFFF  }
0x95: {  	_ =	strace $0x90000047  }
0x96: {  	[bflag:$0x2] =	sbarrier.arrive $0xFFFF  }
0x97: {  	s0 =	rddreg [dreg:$0x4]  }
0x98: {  	s0 =	sadd.s32 @!p0 $0x100000, s0  }
0x99: {  	[sflag:s0] =	ssyncadd.tile.s32 @!p0 $0x1;
	_ =	shalt  }
.Lfunc_end2:
_tile_overlayer_lowered:
.L_overlay_start_2:
0x9a: {  	(tag) =	ssettag $0x2  }
0x9b: {  	s0 =	rddreg [dreg:$0x0];
	s2 =	stileid.u32  }
0x9c: {  	s1 =	rddreg [dreg:$0x1];
	p0 =	sne.s32 s2, $0x0  }
0x9d: {  	s3 =	rddreg [dreg:$0x2];
	[bflag:$0x3] =	sbarrier.arrive $0xFFFF;
	s2 =	simm.s32 @!p0 $0x1C07  }
0x9e: {  	[timem:s3], [sflag:s2] =	dma.local @!p0 [hbm:s0], s1  }
0x9f: {  	s0 =	simm.s32 @!p0 $0x7  }
0xa0: {  	_ =	swait.ge @!p0 [sflag:s0], s1  }
0xa1: {  	s1 =	ssub.s32 @!p0 $0x0, s1;
	[sflag:s0] =	ssyncset.done @!p0 $0x0  }
0xa2: {  	[sflag:s0] =	ssyncadd.s32 @!p0 s1  }
0xa3: {  	[bflag:$0x3] =	sbarrier.arrive $0xFFFF  }
0xa4: {  	_ =	shalt  }

</sc_bundles>
